<compile_context>
chip_gen: v7x
topology: tpu7x:2x2x1
jax: 0.10.2.dev20260603
libtpu: 0.0.44.dev20260713+nightly
codegen_flags: <defaults>
</compile_context>

<pallas_src>
import functools
import jax
import jax.numpy as jnp
from jax import lax
from jax.experimental import pallas as pl
from jax.experimental.pallas import tpu as pltpu, tpu_sc as plsc

_CHUNK = 32
_NBUF = 3


def _make_gather(total_rows, dim):
    info = plsc.get_sparse_core_info()
    nc, ns = info.num_cores, info.num_subcores
    nw = nc * ns
    assert total_rows % (nw * _CHUNK) == 0
    rows_per_w = total_rows // nw
    iters = rows_per_w // _CHUNK
    assert iters > _NBUF
    mesh = plsc.VectorSubcoreMesh(core_axis_name="c", subcore_axis_name="s")

    @functools.partial(
        pl.kernel,
        mesh=mesh,
        out_type=jax.ShapeDtypeStruct((total_rows, dim), jnp.float32),
        scratch_types=[
            pltpu.VMEM((rows_per_w,), jnp.int32),
            pltpu.VMEM((_NBUF, _CHUNK, dim), jnp.float32),
            pltpu.SemaphoreType.DMA((_NBUF,)),
        ],
    )
    def k(pos_hbm, table_hbm, out_hbm, idx_v, bufs, sems):
        wid = lax.axis_index("s") * nc + lax.axis_index("c")
        base = wid * rows_per_w
        pltpu.sync_copy(pos_hbm.at[pl.ds(base, rows_per_w)], idx_v)

        def gather(g, b):
            pltpu.async_copy(
                table_hbm.at[idx_v.at[pl.ds(g * _CHUNK, _CHUNK)]],
                bufs.at[b],
                sems.at[b],
            )

        def wait_gather(b):
            pltpu.make_async_copy(
                table_hbm.at[pl.ds(0, _CHUNK)], bufs.at[b], sems.at[b]
            ).wait()

        for b in range(_NBUF):
            gather(b, b)

        def body(g, _):
            b = lax.rem(g, _NBUF)
            wait_gather(b)
            pltpu.sync_copy(bufs.at[b], out_hbm.at[pl.ds(base + g * _CHUNK, _CHUNK)])

            @pl.when(g + _NBUF < iters)
            def _():
                gather(g + _NBUF, b)

            return 0

        lax.fori_loop(0, iters, body, 0)

    return k


def kernel(positions, pe):
    if positions.ndim == 1:
        positions = positions[None, :]
    batch, seq = positions.shape
    flat = positions.reshape(-1)
    out = _make_gather(batch * seq, pe.shape[1])(flat, pe)
    return out.reshape(batch, seq, pe.shape[1])

# --- scband reference (transcript-rebuilt; emitter-appended) ---
"""Pipeline reference for scband-sinusoidal-positional-embedding-18992345383543 (READ-ONLY COPY).

The authoritative reference and input builder live on the scoring server;
editing this copy changes nothing except your own understanding.
"""

import math
import jax, jax.numpy as jnp
import numpy as np

OUTPUT_DIM = 1024
MAX_TOKENS = 8192
BATCH = 4
SEQ_LEN = 8192


def _build_pe(max_tokens, output_dim):
    position = np.arange(0, max_tokens, dtype=np.float32)[:, None]
    div_term = np.exp(np.arange(0, output_dim, 2, dtype=np.float32) * (-math.log(10000.0) / output_dim))
    pe = np.zeros((max_tokens, output_dim), dtype=np.float32)
    pe[:, 0::2] = np.sin(position * div_term)
    pe[:, 1::2] = np.cos(position * div_term)
    return jnp.asarray(pe)


def setup_inputs(seed: int = 0) -> dict:
    key = jax.random.key(seed)
    positions = jax.random.randint(key, (BATCH, SEQ_LEN), 0, MAX_TOKENS, dtype=jnp.int32)
    pe = _build_pe(MAX_TOKENS, OUTPUT_DIM)
    return {"positions": positions, "pe": pe}


def reference(positions, pe):
    # Faithful translation of SinusoidalPositionalEmbedding.forward
    if positions.ndim == 1:
        positions = positions[None, :]
    batch_size, seq_len = positions.shape
    out = jnp.take(pe, positions.reshape(-1), axis=0)
    out = out.reshape(batch_size, seq_len, pe.shape[1])
    return out

if __name__ == "__main__":
    import jax
    _d = setup_inputs()
    print(jax.jit(kernel)(*tuple(_d.values())))

</pallas_src>

<mosaic_0001>
#map = affine_map<(d0, d1) -> (0)>
#map1 = affine_map<(d0, d1) -> (0, 0)>
module attributes {stable_mosaic.version = 14 : i64} {
  func.func @k(%arg0: i32, %arg1: i32, %arg2: memref<32768xi32, #tpu.memory_space<hbm>>, %arg3: memref<8192x1024xf32, #tpu.memory_space<hbm>>, %arg4: memref<32768x1024xf32, #tpu.memory_space<hbm>>, %arg5: memref<1024xi32, #tpu.memory_space<vmem>>, %arg6: memref<3x32x1024xf32, #tpu.memory_space<vmem>>, %arg7: memref<3x!tpu.dma_semaphore, #tpu.memory_space<semaphore_mem>>) attributes {dimension_semantics = [#tpu.dimension_semantics<core_parallel>, #tpu.dimension_semantics<subcore_parallel>], iteration_bounds = array<i64: 2, 16>, scalar_prefetch = 0 : i64, scratch_operands = 3 : i64, tpu.core_type = #tpu.core_type<sc_vector_subcore>, window_params = [{transform_indices = #map}, {transform_indices = #map1}, {transform_indices = #map1}]} {
    %mul3A = arith.constant 2 : i32
    %mul3A_0 = arith.muli %arg1, %mul3A : i32
    %add3A = arith.addi %mul3A_0, %arg0 : i32
    %mul3A_1 = arith.constant 1024 : i32
    %mul3A_2 = arith.muli %add3A, %mul3A_1 : i32
    "tpu.region"() ({
      %run_scoped3A = tpu.sem_alloc : memref<!tpu.dma_semaphore, #tpu.memory_space<semaphore_mem>>
      %dma_start3A_47 = tpu.memref_slice %arg2[%mul3A_2] : memref<32768xi32, #tpu.memory_space<hbm>> -> memref<1024xi32, #tpu.memory_space<hbm>>
      %dma_start3A_48 = tpu.memref_slice %arg2[%mul3A_2] : memref<32768xi32, #tpu.memory_space<hbm>> -> memref<1024xi32, #tpu.memory_space<hbm>>
      tpu.enqueue_dma source(%dma_start3A_48 : memref<1024xi32, #tpu.memory_space<hbm>>) target(%arg5 : memref<1024xi32, #tpu.memory_space<vmem>>) target_semaphore(%run_scoped3A : memref<!tpu.dma_semaphore, #tpu.memory_space<semaphore_mem>>)
      %dma_wait3A = tpu.memref_slice %arg2[%mul3A_2] : memref<32768xi32, #tpu.memory_space<hbm>> -> memref<1024xi32, #tpu.memory_space<hbm>>
      %dma_wait3A_49 = tpu.memref_slice %arg2[%mul3A_2] : memref<32768xi32, #tpu.memory_space<hbm>> -> memref<1024xi32, #tpu.memory_space<hbm>>
      tpu.wait_dma2 semaphore(%run_scoped3A : memref<!tpu.dma_semaphore, #tpu.memory_space<semaphore_mem>>) src(%dma_wait3A_49 : memref<1024xi32, #tpu.memory_space<hbm>>) dst(%arg5 : memref<1024xi32, #tpu.memory_space<vmem>>)
      tpu.yield
    }) : () -> ()
    %dma_start3A = arith.constant 0 : i32
    %dma_start3A_3 = arith.constant 0 : i32
    %dma_start3A_4 = arith.constant 0 : i32
    %dma_start3A_5 = arith.constant 0 : i32
    %dma_start3A_6 = tpu.memref_slice %arg6[%dma_start3A, %dma_start3A_4, %dma_start3A_5] : memref<3x32x1024xf32, #tpu.memory_space<vmem>> -> memref<1x32x1024xf32, #tpu.memory_space<vmem>>
    %dma_start3A_7 = tpu.memref_squeeze %dma_start3A_6 : memref<1x32x1024xf32, #tpu.memory_space<vmem>> -> memref<32x1024xf32, #tpu.memory_space<vmem>>
    %dma_start3A_8 = arith.constant 0 : i32
    %dma_start3A_9 = tpu.memref_slice %arg5[%dma_start3A_8] : memref<1024xi32, #tpu.memory_space<vmem>> -> memref<32xi32, #tpu.memory_space<vmem>>
    %dma_start3A_10 = arith.constant 0 : i32
    %dma_start3A_11 = arith.constant 0 : i32
    %dma_start3A_12 = tpu.memref_slice %arg3[%dma_start3A_10, %dma_start3A_11] : memref<8192x1024xf32, #tpu.memory_space<hbm>> -> memref<8192x1024xf32, #tpu.memory_space<hbm>>
    %dma_start3A_13 = tpu.memref_slice %arg7[%dma_start3A_3] : memref<3x!tpu.dma_semaphore, #tpu.memory_space<semaphore_mem>> -> memref<1x!tpu.dma_semaphore, #tpu.memory_space<semaphore_mem>>
    %dma_start3A_14 = tpu.memref_squeeze %dma_start3A_13 : memref<1x!tpu.dma_semaphore, #tpu.memory_space<semaphore_mem>> -> memref<!tpu.dma_semaphore, #tpu.memory_space<semaphore_mem>>
    tpu.enqueue_indirect_dma source(%dma_start3A_12 : memref<8192x1024xf32, #tpu.memory_space<hbm>>) target(%dma_start3A_7 : memref<32x1024xf32, #tpu.memory_space<vmem>>) offsets(%dma_start3A_9 : memref<32xi32, #tpu.memory_space<vmem>>) semaphore(%dma_start3A_14 : memref<!tpu.dma_semaphore, #tpu.memory_space<semaphore_mem>>)
    %dma_start3A_15 = arith.constant 1 : i32
    %dma_start3A_16 = arith.constant 1 : i32
    %dma_start3A_17 = arith.constant 0 : i32
    %dma_start3A_18 = arith.constant 0 : i32
    %dma_start3A_19 = tpu.memref_slice %arg6[%dma_start3A_15, %dma_start3A_17, %dma_start3A_18] : memref<3x32x1024xf32, #tpu.memory_space<vmem>> -> memref<1x32x1024xf32, #tpu.memory_space<vmem>>
    %dma_start3A_20 = tpu.memref_squeeze %dma_start3A_19 : memref<1x32x1024xf32, #tpu.memory_space<vmem>> -> memref<32x1024xf32, #tpu.memory_space<vmem>>
    %dma_start3A_21 = arith.constant 32 : i32
    %dma_start3A_22 = tpu.memref_slice %arg5[%dma_start3A_21] : memref<1024xi32, #tpu.memory_space<vmem>> -> memref<32xi32, #tpu.memory_space<vmem>>
    %dma_start3A_23 = arith.constant 0 : i32
    %dma_start3A_24 = arith.constant 0 : i32
    %dma_start3A_25 = tpu.memref_slice %arg3[%dma_start3A_23, %dma_start3A_24] : memref<8192x1024xf32, #tpu.memory_space<hbm>> -> memref<8192x1024xf32, #tpu.memory_space<hbm>>
    %dma_start3A_26 = tpu.memref_slice %arg7[%dma_start3A_16] : memref<3x!tpu.dma_semaphore, #tpu.memory_space<semaphore_mem>> -> memref<1x!tpu.dma_semaphore, #tpu.memory_space<semaphore_mem>>
    %dma_start3A_27 = tpu.memref_squeeze %dma_start3A_26 : memref<1x!tpu.dma_semaphore, #tpu.memory_space<semaphore_mem>> -> memref<!tpu.dma_semaphore, #tpu.memory_space<semaphore_mem>>
    tpu.enqueue_indirect_dma source(%dma_start3A_25 : memref<8192x1024xf32, #tpu.memory_space<hbm>>) target(%dma_start3A_20 : memref<32x1024xf32, #tpu.memory_space<vmem>>) offsets(%dma_start3A_22 : memref<32xi32, #tpu.memory_space<vmem>>) semaphore(%dma_start3A_27 : memref<!tpu.dma_semaphore, #tpu.memory_space<semaphore_mem>>)
    %dma_start3A_28 = arith.constant 2 : i32
    %dma_start3A_29 = arith.constant 2 : i32
    %dma_start3A_30 = arith.constant 0 : i32
    %dma_start3A_31 = arith.constant 0 : i32
    %dma_start3A_32 = tpu.memref_slice %arg6[%dma_start3A_28, %dma_start3A_30, %dma_start3A_31] : memref<3x32x1024xf32, #tpu.memory_space<vmem>> -> memref<1x32x1024xf32, #tpu.memory_space<vmem>>
    %dma_start3A_33 = tpu.memref_squeeze %dma_start3A_32 : memref<1x32x1024xf32, #tpu.memory_space<vmem>> -> memref<32x1024xf32, #tpu.memory_space<vmem>>
    %dma_start3A_34 = arith.constant 64 : i32
    %dma_start3A_35 = tpu.memref_slice %arg5[%dma_start3A_34] : memref<1024xi32, #tpu.memory_space<vmem>> -> memref<32xi32, #tpu.memory_space<vmem>>
    %dma_start3A_36 = arith.constant 0 : i32
    %dma_start3A_37 = arith.constant 0 : i32
    %dma_start3A_38 = tpu.memref_slice %arg3[%dma_start3A_36, %dma_start3A_37] : memref<8192x1024xf32, #tpu.memory_space<hbm>> -> memref<8192x1024xf32, #tpu.memory_space<hbm>>
    %dma_start3A_39 = tpu.memref_slice %arg7[%dma_start3A_29] : memref<3x!tpu.dma_semaphore, #tpu.memory_space<semaphore_mem>> -> memref<1x!tpu.dma_semaphore, #tpu.memory_space<semaphore_mem>>
    %dma_start3A_40 = tpu.memref_squeeze %dma_start3A_39 : memref<1x!tpu.dma_semaphore, #tpu.memory_space<semaphore_mem>> -> memref<!tpu.dma_semaphore, #tpu.memory_space<semaphore_mem>>
    tpu.enqueue_indirect_dma source(%dma_start3A_38 : memref<8192x1024xf32, #tpu.memory_space<hbm>>) target(%dma_start3A_33 : memref<32x1024xf32, #tpu.memory_space<vmem>>) offsets(%dma_start3A_35 : memref<32xi32, #tpu.memory_space<vmem>>) semaphore(%dma_start3A_40 : memref<!tpu.dma_semaphore, #tpu.memory_space<semaphore_mem>>)
    %scan3A = arith.constant 0 : i32
    %scan3A_41 = arith.constant 0 : i32
    %scan3A_42 = arith.constant 32 : i32
    %scan3A_43 = arith.addi %scan3A_41, %scan3A_42 : i32
    %scan3A_44 = arith.constant 1 : i32
    %scan3A_45 = scf.for %scan3A_47 = %scan3A_41 to %scan3A_43 step %scan3A_44 iter_args(%scan3A_48 = %scan3A) -> (i32)  : i32 {
      %rem3A = arith.constant 3 : i32
      %rem3A_49 = arith.remsi %scan3A_47, %rem3A : i32
      %dma_wait3A = arith.constant 0 : i32
      %dma_wait3A_50 = arith.constant 0 : i32
      %dma_wait3A_51 = tpu.memref_slice %arg6[%rem3A_49, %dma_wait3A, %dma_wait3A_50] : memref<3x32x1024xf32, #tpu.memory_space<vmem>> -> memref<1x32x1024xf32, #tpu.memory_space<vmem>>
      %dma_wait3A_52 = tpu.memref_squeeze %dma_wait3A_51 : memref<1x32x1024xf32, #tpu.memory_space<vmem>> -> memref<32x1024xf32, #tpu.memory_space<vmem>>
      %dma_wait3A_53 = arith.constant 0 : i32
      %dma_wait3A_54 = arith.constant 0 : i32
      %dma_wait3A_55 = tpu.memref_slice %arg3[%dma_wait3A_53, %dma_wait3A_54] : memref<8192x1024xf32, #tpu.memory_space<hbm>> -> memref<32x1024xf32, #tpu.memory_space<hbm>>
      %dma_wait3A_56 = tpu.memref_slice %arg7[%rem3A_49] : memref<3x!tpu.dma_semaphore, #tpu.memory_space<semaphore_mem>> -> memref<1x!tpu.dma_semaphore, #tpu.memory_space<semaphore_mem>>
      %dma_wait3A_57 = tpu.memref_squeeze %dma_wait3A_56 : memref<1x!tpu.dma_semaphore, #tpu.memory_space<semaphore_mem>> -> memref<!tpu.dma_semaphore, #tpu.memory_space<semaphore_mem>>
      %dma_wait3A_58 = arith.constant 0 : i32
      %dma_wait3A_59 = arith.constant 0 : i32
      %dma_wait3A_60 = tpu.memref_slice %arg6[%rem3A_49, %dma_wait3A_58, %dma_wait3A_59] : memref<3x32x1024xf32, #tpu.memory_space<vmem>> -> memref<1x32x1024xf32, #tpu.memory_space<vmem>>
      %dma_wait3A_61 = tpu.memref_squeeze %dma_wait3A_60 : memref<1x32x1024xf32, #tpu.memory_space<vmem>> -> memref<32x1024xf32, #tpu.memory_space<vmem>>
      %dma_wait3A_62 = arith.constant 0 : i32
      %dma_wait3A_63 = arith.constant 0 : i32
      %dma_wait3A_64 = tpu.memref_slice %arg3[%dma_wait3A_62, %dma_wait3A_63] : memref<8192x1024xf32, #tpu.memory_space<hbm>> -> memref<32x1024xf32, #tpu.memory_space<hbm>>
      tpu.wait_dma2 semaphore(%dma_wait3A_57 : memref<!tpu.dma_semaphore, #tpu.memory_space<semaphore_mem>>) src(%dma_wait3A_64 : memref<32x1024xf32, #tpu.memory_space<hbm>>) dst(%dma_wait3A_61 : memref<32x1024xf32, #tpu.memory_space<vmem>>)
      %mul3A_65 = arith.constant 32 : i32
      %mul3A_66 = arith.muli %scan3A_47, %mul3A_65 : i32
      %add3A_67 = arith.addi %mul3A_2, %mul3A_66 : i32
      "tpu.region"() ({
        %run_scoped3A = tpu.sem_alloc : memref<!tpu.dma_semaphore, #tpu.memory_space<semaphore_mem>>
        %dma_start3A_73 = arith.constant 0 : i32
        %dma_start3A_74 = arith.constant 0 : i32
        %dma_start3A_75 = tpu.memref_slice %arg6[%rem3A_49, %dma_start3A_73, %dma_start3A_74] : memref<3x32x1024xf32, #tpu.memory_space<vmem>> -> memref<1x32x1024xf32, #tpu.memory_space<vmem>>
        %dma_start3A_76 = tpu.memref_squeeze %dma_start3A_75 : memref<1x32x1024xf32, #tpu.memory_space<vmem>> -> memref<32x1024xf32, #tpu.memory_space<vmem>>
        %dma_start3A_77 = arith.constant 0 : i32
        %dma_start3A_78 = tpu.memref_slice %arg4[%add3A_67, %dma_start3A_77] : memref<32768x1024xf32, #tpu.memory_space<hbm>> -> memref<32x1024xf32, #tpu.memory_space<hbm>>
        %dma_start3A_79 = arith.constant 0 : i32
        %dma_start3A_80 = tpu.memref_slice %arg4[%add3A_67, %dma_start3A_79] : memref<32768x1024xf32, #tpu.memory_space<hbm>> -> memref<32x1024xf32, #tpu.memory_space<hbm>>
        %dma_start3A_81 = arith.constant 0 : i32
        %dma_start3A_82 = arith.constant 0 : i32
        %dma_start3A_83 = tpu.memref_slice %arg6[%rem3A_49, %dma_start3A_81, %dma_start3A_82] : memref<3x32x1024xf32, #tpu.memory_space<vmem>> -> memref<1x32x1024xf32, #tpu.memory_space<vmem>>
        %dma_start3A_84 = tpu.memref_squeeze %dma_start3A_83 : memref<1x32x1024xf32, #tpu.memory_space<vmem>> -> memref<32x1024xf32, #tpu.memory_space<vmem>>
        tpu.enqueue_dma source(%dma_start3A_84 : memref<32x1024xf32, #tpu.memory_space<vmem>>) target(%dma_start3A_80 : memref<32x1024xf32, #tpu.memory_space<hbm>>) target_semaphore(%run_scoped3A : memref<!tpu.dma_semaphore, #tpu.memory_space<semaphore_mem>>)
        %dma_wait3A_85 = arith.constant 0 : i32
        %dma_wait3A_86 = arith.constant 0 : i32
        %dma_wait3A_87 = tpu.memref_slice %arg6[%rem3A_49, %dma_wait3A_85, %dma_wait3A_86] : memref<3x32x1024xf32, #tpu.memory_space<vmem>> -> memref<1x32x1024xf32, #tpu.memory_space<vmem>>
        %dma_wait3A_88 = tpu.memref_squeeze %dma_wait3A_87 : memref<1x32x1024xf32, #tpu.memory_space<vmem>> -> memref<32x1024xf32, #tpu.memory_space<vmem>>
        %dma_wait3A_89 = arith.constant 0 : i32
        %dma_wait3A_90 = tpu.memref_slice %arg4[%add3A_67, %dma_wait3A_89] : memref<32768x1024xf32, #tpu.memory_space<hbm>> -> memref<32x1024xf32, #tpu.memory_space<hbm>>
        %dma_wait3A_91 = arith.constant 0 : i32
        %dma_wait3A_92 = tpu.memref_slice %arg4[%add3A_67, %dma_wait3A_91] : memref<32768x1024xf32, #tpu.memory_space<hbm>> -> memref<32x1024xf32, #tpu.memory_space<hbm>>
        %dma_wait3A_93 = arith.constant 0 : i32
        %dma_wait3A_94 = arith.constant 0 : i32
        %dma_wait3A_95 = tpu.memref_slice %arg6[%rem3A_49, %dma_wait3A_93, %dma_wait3A_94] : memref<3x32x1024xf32, #tpu.memory_space<vmem>> -> memref<1x32x1024xf32, #tpu.memory_space<vmem>>
        %dma_wait3A_96 = tpu.memref_squeeze %dma_wait3A_95 : memref<1x32x1024xf32, #tpu.memory_space<vmem>> -> memref<32x1024xf32, #tpu.memory_space<vmem>>
        tpu.wait_dma2 semaphore(%run_scoped3A : memref<!tpu.dma_semaphore, #tpu.memory_space<semaphore_mem>>) src(%dma_wait3A_96 : memref<32x1024xf32, #tpu.memory_space<vmem>>) dst(%dma_wait3A_92 : memref<32x1024xf32, #tpu.memory_space<hbm>>)
        tpu.yield
      }) : () -> ()
      %add3A_68 = arith.constant 3 : i32
      %add3A_69 = arith.addi %scan3A_47, %add3A_68 : i32
      %lt3A = arith.constant 32 : i32
      %lt3A_70 = arith.cmpi slt, %add3A_69, %lt3A : i32
      %convert_element_type3A = arith.extui %lt3A_70 : i1 to i32
      %cond3A = arith.constant 0 : i32
      %cond3A_71 = arith.cmpi ne, %convert_element_type3A, %cond3A : i32
      scf.if %cond3A_71 {
        %add3A_73 = arith.constant 3 : i32
        %add3A_74 = arith.addi %scan3A_47, %add3A_73 : i32
        %mul3A_75 = arith.constant 32 : i32
        %mul3A_76 = arith.muli %add3A_74, %mul3A_75 : i32
        %dma_start3A_77 = arith.constant 0 : i32
        %dma_start3A_78 = arith.constant 0 : i32
        %dma_start3A_79 = tpu.memref_slice %arg6[%rem3A_49, %dma_start3A_77, %dma_start3A_78] : memref<3x32x1024xf32, #tpu.memory_space<vmem>> -> memref<1x32x1024xf32, #tpu.memory_space<vmem>>
        %dma_start3A_80 = tpu.memref_squeeze %dma_start3A_79 : memref<1x32x1024xf32, #tpu.memory_space<vmem>> -> memref<32x1024xf32, #tpu.memory_space<vmem>>
        %dma_start3A_81 = tpu.memref_slice %arg5[%mul3A_76] : memref<1024xi32, #tpu.memory_space<vmem>> -> memref<32xi32, #tpu.memory_space<vmem>>
        %dma_start3A_82 = arith.constant 0 : i32
        %dma_start3A_83 = arith.constant 0 : i32
        %dma_start3A_84 = tpu.memref_slice %arg3[%dma_start3A_82, %dma_start3A_83] : memref<8192x1024xf32, #tpu.memory_space<hbm>> -> memref<8192x1024xf32, #tpu.memory_space<hbm>>
        %dma_start3A_85 = tpu.memref_slice %arg7[%rem3A_49] : memref<3x!tpu.dma_semaphore, #tpu.memory_space<semaphore_mem>> -> memref<1x!tpu.dma_semaphore, #tpu.memory_space<semaphore_mem>>
        %dma_start3A_86 = tpu.memref_squeeze %dma_start3A_85 : memref<1x!tpu.dma_semaphore, #tpu.memory_space<semaphore_mem>> -> memref<!tpu.dma_semaphore, #tpu.memory_space<semaphore_mem>>
        tpu.enqueue_indirect_dma source(%dma_start3A_84 : memref<8192x1024xf32, #tpu.memory_space<hbm>>) target(%dma_start3A_80 : memref<32x1024xf32, #tpu.memory_space<vmem>>) offsets(%dma_start3A_81 : memref<32xi32, #tpu.memory_space<vmem>>) semaphore(%dma_start3A_86 : memref<!tpu.dma_semaphore, #tpu.memory_space<semaphore_mem>>)
      } else {
      }
      %scan3A_72 = arith.constant 0 : i32
      scf.yield %scan3A_72 : i32
    }
    %scan3A_46 = arith.constant 32 : i32
    return
  }
}

</mosaic_0001>

<sc_bundles>
// kernel: kernel.3.cloned.1.call-start
scs
__scs_entry_jumppad:
0x0: {  	(pc) =	sbr.rel $0x88, $3  }
0x1: {  	(tag) =	ssettag $0x0;
	lr =	simm.s32 $0x1  }
0x2: {  	[smem:$0x3F9F] =	sst lr;
	_ =	strace $0xD0000000  }
0x3: {  	_ = 	snop  }
0x4: {  	_ = 	snop  }
0x5: {  	_ = 	snop  }
0x6: {  	_ = 	snop  }
0x7: {  	_ = 	snop  }
__scs_overlays_trampoline_lowered:
0x8: {  	[smem:$0x3FAE] =	sst s0  }
0x9: {  	[smem:$0x3FAF] =	sst s1  }
0xa: {  	[smem:$0x3FB0] =	sst s2  }
0xb: {  	[smem:$0x3FB1] =	sst s3  }
0xc: {  	[smem:$0x3FB2] =	sst s4  }
0xd: {  	[smem:$0x3FB3] =	sst s5  }
0xe: {  	[smem:$0x3FB4] =	sst s6  }
0xf: {  	[smem:$0x3FB5] =	sst s7  }
0x10: {  	[smem:$0x3FB6] =	sst s8  }
0x11: {  	[smem:$0x3FB7] =	sst s9;
	s0 =	simm.s32 @!p0 $0x0  }
0x12: {  	s1 =	sld [smem:$0x3F9D];
	s0 =	simm.s32 @p0 $0x1  }
0x13: {  	[smem:$0x3FB8] =	sst s0;
	s0 =	simm.s32 @!p1 $0x0  }
0x14: {  	s2 =	sld [smem:$0x3F9C];
	s0 =	simm.s32 @p1 $0x1  }
0x15: {  	[smem:$0x3FB9] =	sst s0;
	s0 =	simm.s32 @!p2 $0x0  }
0x16: {  	s3 =	sld [smem:$0x3FDB];
	s0 =	simm.s32 @p2 $0x1  }
0x17: {  	s4 =	simm.s32 $0x1BF5;
	[smem:$0x3FBB] =	sst s0  }
0x18: {  	s0 =	sld [smem:$0x3F9E];
	_ =	swait.ge [sflag:s4], $0x0  }
0x19: {  	s7 =	sld [smem:$0x3F9F]  }
0x1a: {  	s8 =	sadd.s32 $0xFFFFE003, lr  }
0x1b: {  	s9 =	sadd.s32 $0xFFFFFEF7, lr;
	s5 =	simm.s32 $0xFFFFFFFF;
	p2 =	slt.u32 s8, $0xFFFFF086  }
0x1c: {  	p1 =	slt.u32 s9, $0xF7A;
	s5 =	simm.s32 @!p2 $0x0  }
0x1d: {  	s5 =	simm.s32 @p1 $0x1;
	p0 =	seq.s32 s7, s2  }
0x1e: {  	s7 =	smul.u32 @!p0 $0xF7A, s2;
	p2 =	seq.s32 @!p0 s5, $0x0  }
0x1f: {  	s9 =	smul.u32 $0xF7A, s1;
	s8 =	simm.s32 @!p0 $0x1BF5;
	p2 =	por !p2, p0  }
0x20: {  	[sflag:s8] =	ssyncset.s32 @!p0 $0xFFFFF086;
	s6 =	sadd.s32 @!p0 s3, s7;
	s7 =	simm.s32 @!p0 $0x108  }
0x21: {  	s3 =	sadd.s32 s3, s9;
	s6 =	sadd.s32 @!p0 $0x88, s6;
	s7 =	simm.s32 @p2 $0x1082  }
0x22: {  	[simem:s7], [sflag:s8] =	dma.local @!p0 [hbm:s6], $0xF7A  }
0x23: {  	s9 =	sor.u32 $0xD0000000, s2;
	s6 =	simm.s32 $0x108;
	_ =	swait.ge @!p0 [sflag:s8], $0x0  }
0x24: {  	s3 =	sadd.s32 $0x88, s3;
	s6 =	simm.s32 @!p1 $0x1082;
	[sflag:s4] =	ssyncset.s32 $0xFFFFF086  }
0x25: {  	[simem:s6], [sflag:s4] =	dma.local [hbm:s3], $0xF7A  }
0x26: {  	[smem:$0x3F9F] =	sst s1;
	(tag) =	ssettag s2;
	_ =	strace s9  }
0x27: {  	s1 =	sld [smem:$0x3FAF]  }
0x28: {  	s2 =	sld [smem:$0x3FB0]  }
0x29: {  	s4 =	sld [smem:$0x3FB2]  }
0x2a: {  	p0 =	seq.s32 s5, $0x0;
	s5 =	sld [smem:$0x3FB3]  }
0x2b: {  	s6 =	sld [smem:$0x3FB4]  }
0x2c: {  	s7 =	sld [smem:$0x3FB5]  }
0x2d: {  	s3 =	simm.s32 $0x108;
	s8 =	sld [smem:$0x3FB6]  }
0x2e: {  	s3 =	simm.s32 @!p0 $0x1082;
	s9 =	sld [smem:$0x3FB7]  }
0x2f: {  	lr =	sadd.s32 s0, s3;
	s0 =	sld [smem:$0x3FAE]  }
0x30: {  	s3 =	sld [smem:$0x3FB1]  }
0x31: {  	[smem:$0x3FBA] =	sst s10  }
0x32: {  	s10 =	sld [smem:$0x3FB8];
	_ =	sdelay $0x3  }
0x33: {  	p0 =	seq.s32 s10, $0x1;
	s10 =	sld [smem:$0x3FBA];
	_ =	sdelay $0x3  }
0x34: {  	[smem:$0x3FBA] =	sst s10  }
0x35: {  	s10 =	sld [smem:$0x3FB9];
	_ =	sdelay $0x3  }
0x36: {  	p1 =	seq.s32 s10, $0x1;
	s10 =	sld [smem:$0x3FBA];
	_ =	sdelay $0x3  }
0x37: {  	[smem:$0x3FBA] =	sst s10  }
0x38: {  	s10 =	sld [smem:$0x3FBB]  }
0x39: {  	_ = 	snop;
	(pc) =	sbr.ind lr, $3  }
0x3a: {  	_ = 	snop  }
0x3b: {  	_ = 	snop  }
0x3c: {  	p2 =	seq.s32 s10, $0x1;
	s10 =	sld [smem:$0x3FBA]  }
0x3d: {  	_ =	shalt  }
0x3e: {  	_ =	shalt  }
0x3f: {  	_ =	shalt  }
0x40: {  	_ =	shalt  }
0x41: {  	_ =	shalt  }
0x42: {  	_ =	shalt  }
0x43: {  	_ =	shalt  }
0x44: {  	_ =	shalt  }
0x45: {  	_ =	shalt  }
0x46: {  	_ =	shalt  }
0x47: {  	_ =	shalt  }
0x48: {  	_ =	shalt  }
0x49: {  	_ =	shalt  }
0x4a: {  	_ =	shalt  }
0x4b: {  	_ =	shalt  }
0x4c: {  	_ =	shalt  }
0x4d: {  	_ =	shalt  }
0x4e: {  	_ =	shalt  }
0x4f: {  	_ =	shalt  }
0x50: {  	_ =	shalt  }
0x51: {  	_ =	shalt  }
0x52: {  	_ =	shalt  }
0x53: {  	_ =	shalt  }
0x54: {  	_ =	shalt  }
0x55: {  	_ =	shalt  }
0x56: {  	_ =	shalt  }
0x57: {  	_ =	shalt  }
0x58: {  	_ =	shalt  }
0x59: {  	_ =	shalt  }
0x5a: {  	_ =	shalt  }
0x5b: {  	_ =	shalt  }
0x5c: {  	_ =	shalt  }
0x5d: {  	_ =	shalt  }
0x5e: {  	_ =	shalt  }
0x5f: {  	_ =	shalt  }
0x60: {  	_ =	shalt  }
0x61: {  	_ =	shalt  }
0x62: {  	_ =	shalt  }
0x63: {  	_ =	shalt  }
0x64: {  	_ =	shalt  }
0x65: {  	_ =	shalt  }
0x66: {  	_ =	shalt  }
0x67: {  	_ =	shalt  }
0x68: {  	_ =	shalt  }
0x69: {  	_ =	shalt  }
0x6a: {  	_ =	shalt  }
0x6b: {  	_ =	shalt  }
0x6c: {  	_ =	shalt  }
0x6d: {  	_ =	shalt  }
0x6e: {  	_ =	shalt  }
0x6f: {  	_ =	shalt  }
0x70: {  	_ =	shalt  }
0x71: {  	_ =	shalt  }
0x72: {  	_ =	shalt  }
0x73: {  	_ =	shalt  }
0x74: {  	_ =	shalt  }
0x75: {  	_ =	shalt  }
0x76: {  	_ =	shalt  }
0x77: {  	_ =	shalt  }
0x78: {  	_ =	shalt  }
0x79: {  	_ =	shalt  }
0x7a: {  	_ =	shalt  }
0x7b: {  	_ =	shalt  }
0x7c: {  	_ =	shalt  }
0x7d: {  	_ =	shalt  }
0x7e: {  	_ =	shalt  }
0x7f: {  	_ =	shalt  }
0x80: {  	_ =	shalt  }
0x81: {  	_ =	shalt  }
0x82: {  	_ =	shalt  }
0x83: {  	_ =	shalt  }
0x84: {  	_ =	shalt  }
0x85: {  	_ =	shalt  }
0x86: {  	_ =	shalt  }
0x87: {  	_ =	shalt  }
.Lfunc_end0:
.L_simem_size_0:
called_computation_lowered:
.L_overlay_start_0:
0x88: {  	s2 =	sld [smem:$0x3FD9]  }
0x89: {  	s3 =	sld [smem:$0x3FFE];
	_ =	sdelay $0x1  }
0x8a: {  	s1 =	srdreg.scid  }
0x8b: {  	s0 =	sand.u32 $0x1, s1  }
0x8c: {  	s17 =	sshll.u32 s0, $0xA;
	s2 =	sadd.s32 s3, s2  }
0x8d: {  	s2 =	sadd.s32 s2, s17  }
0x8e: {  	[smem:$0x3FC6] =	sst s2  }
0x8f: {  	_ = 	snop  }
0x90: {  	s2 =	sld [smem:$0x3FC8]  }
0x91: {  	s18 =	sld [smem:$0x3FD0];
	(tm) =	ssettm $0x1  }
0x92: {  	s4 =	sld [smem:$0x3FFB];
	_ =	sdelay $0x3  }
0x93: {  	_ =	strace s4  }
0x94: {  	s4 =	sld [smem:$0x3FFC];
	_ =	sdelay $0x3  }
0x95: {  	_ =	strace s4  }
0x96: {  	s4 =	sld [smem:$0x3FFD];
	_ =	sdelay $0x3  }
0x97: {  	_ =	strace s4  }
0x98: {  	_ =	strace $0x8FFFFFFF  }
0x99: {  	s19 =	sld [smem:$0x3FDB];
	_ =	sdelay $0x1  }
0x9a: {  	s5 =	simm.s32 $_scs_section_size  }
0x9b: {  	s6 =	simm.s32 $_size__tile_overlayer_lowered;
	s7 =	simm.s32 $_tile_overlayer_lowered  }
0x9c: {  	s22 =	simm.s32 $0x1BFF;
	s21 =	sshll.u32 s7, $0x1;
	s4 =	sadd.s32 s5, s19  }
0x9d: {  	s8 =	simm.s32 $0x0;
	s20 =	sshll.u32 s6, $0x1;
	s6 =	sadd.s32 s21, s4  }
0x9e: {  	[timem:s8], [sflag:s22] =	dma.local [hbm:s6], s20  }
0x9f: {  	_ =	swait.ge [sflag:s22], s20  }
0xa0: {  	s5 =	ssub.s32 $0x0, s20;
	[sflag:s22] =	ssyncset.done $0x0  }
0xa1: {  	[sflag:s22] =	ssyncadd.s32 s5;
	_ =	sdelay $0x1  }
0xa2: {  	s23 =	simm.s32 $0x1B8B  }
0xa3: {  	_ =	swait.ge [sflag:s23], $0x1  }
0xa4: {  	[sflag:s23] =	ssyncset.done $0x0  }
0xa5: {  	s25 =	simm.s32 $0x1B8E;
	s24 =	sld [smem:$0x3FFE];
	[sflag:s23] =	ssyncadd.s32 $0xFFFFFFFF  }
0xa6: {  	s26 =	simm.s32 $execute0_lowered;
	[smem:$0x3FD2] =	sst s25  }
0xa7: {  	s6 =	sshll.u32 s26, $0x1;
	_ =	strace $0x80000046;
	[dreg:$0x1] =	wrdreg $0xFFFFFFFF  }
0xa8: {  	s28 =	simm.s32 $_size_execute0_lowered;
	s4 =	sadd.s32 s4, s6;
	[dreg:$0x0] =	wrdreg $0x0  }
0xa9: {  	s6 =	sshll.u32 s28, $0x1;
	[dreg:$0x2] =	wrdreg s4  }
0xaa: {  	[dreg:$0x3] =	wrdreg s6  }
0xab: {  	[dreg:$0x4] =	wrdreg $0xC0  }
0xac: {  	_ =	task [dreg:s8], $0x5FFFF  }
0xad: {  	[dreg:$0x1] =	wrdreg $0xFFFFFFFF  }
0xae: {  	[dreg:$0x0] =	wrdreg $0x60  }
0xaf: {  	[dreg:$0x2] =	wrdreg s24  }
0xb0: {  	[dreg:$0x3] =	wrdreg s2  }
0xb1: {  	[dreg:$0x4] =	wrdreg s18  }
0xb2: {  	[dreg:$0x5] =	wrdreg $0x9  }
0xb3: {  	_ =	task.clear_ibuf [dreg:s8], $0x6FFFF;
	_ =	strace $0x90000046  }
0xb4: {  	s29 =	simm.s32 $0x9;
	_ =	strace $0x80000048  }
0xb5: {  	_ =	swait.ge [sflag:s29], $0x1  }
0xb6: {  	[sflag:s29] =	ssyncadd.s32 $0xFFFFFFFF  }
0xb7: {  	_ =	strace $0x90000048  }
0xb8: {  	_ =	sfence  }
0xb9: {  	s30 =	sld [smem:$0x0];
	_ =	sdelay $0x2  }
0xba: {  	s31 =	sshll.u32 s1, $0xD;
	s1 =	sshrl.u32 s1, $0x2  }
0xbb: {  	s3 =	sand.u32 $0x4000, s31;
	s1 =	sadd.s32 s1, s30  }
0xbc: {  	s0 =	sor.u32 s3, s0;
	s1 =	sshll.u32 s1, $0x11  }
0xbd: {  	s0 =	sor.u32 s1, s0  }
0xbe: {  	s0 =	sadd.s32 $0x8F2B, s0  }
0xbf: {  	[sflag:s0] =	ssyncadd.remote.s32 $0x1  }
0xc0: {  	_ =	sfence.sel $0xFFFF  }
0xc1: {  	[dreg:$0x0] =	wrdreg $0xFFFFFFFF;
	(pc) =	sbr.abs _section_cstart, $3  }
0xc2: {  	[dreg:$0x1] =	wrdreg $0xFFFFFFFF  }
0xc3: {  	_ =	task.clear_ibuf [dreg:s8], $0x2FFFF;
	_ =	strace $0x9FFFFFFF  }
0xc4: {  	(tm) =	ssettm $0x7FFFFFFF  }
0xc5: {  	_ =	shalt  }
tec
execute0_lowered:
.L_overlay_start_1:
0x0: {  	(tag) =	ssettag $0x1  }
0x1: {  	s0 =	rddreg [dreg:$0x0]  }
0x2: {  	s1 =	srdreg.scid;
	s2 =	rddreg [dreg:$0x1]  }
0x3: {  	s10 =	stileid.u32;
	s9 =	rddreg [dreg:$0x2]  }
0x4: {  	s3 =	simm.s32 $0x0;
	s31 =	simm.s32 $0x14C00;
	s11 =	simm.s32 $0x16400  }
0x5: {  	s12 =	simm.s32 $0x16C00;
	s13 =	simm.s32 $0x17400;
	s14 =	simm.s32 $0x17C00  }
0x6: {  	s15 =	simm.s32 $0x0;
	s1 =	sand.u32 $0x1, s1;
	s4 =	sshll.u32 s10, $0xB  }
0x7: {  	[smem:$0x7FF] =	sst s3;
	s6 =	sadd.s32 $0x200, s2;
	s7 =	sadd.s32 $0x300, s2  }
0x8: {  	s30 =	sshll.u32 s10, $0x12;
	s10 =	simm.s32 $0x4;
	s5 =	sshll.u32 s1, $0xA  }
0x9: {  	s28 =	ssub.s32 $0x2, s1;
	_ =	strace $0x80000047;
	s4 =	sor.u32 s5, s4  }
0xa: {  	s1 =	sshll.u32 s1, $0x11;
	s29 =	sshrl.u32 s28, $0x1;
	s4 =	sshrl.u32 s4, $0x3  }
0xb: {  	v2 =	vlaneseq.u32;
	s5 =	sadd.s32 $0x100, s2;
	s8 =	ssub.s32 s28, s29;
	s0 =	sadd.s32 s4, s0  }
0xc: {  	vm0 =	vmmov $0xffff;
	v1 =	vshrl.u32 v2, $0x3;
	s8 =	smax.u32 s8, $0x1;
	s4 =	sadd.s32 $0x400, s0;
	s0 =	sadd.s32 s30, s9  }
0xd: {  	v0 =	vand.u32 $0x7, v2;
	v2 =	vor.u32 $0x8, v2;
	v1 =	vmul.u32 $0x8, v1;
	s9 =	sadd.s32 s1, s0;
	s1 =	simm.s32 $0x15400;
	s0 =	simm.s32 $0x15C00  }
.LBB2_1:
0xe: {  	[tilespmem:s3], [sflag:$0x4] =	stream.linear.gather [hbm4b:s4+s3], $0x400, $0x38;
	[tilespmem:$0x18400] =	vst v63  }
0xf: {  	_ =	swait.ge [sflag:s10], $0x400  }
0x10: {  	[sflag:s10] =	ssyncset.done $0x0  }
0x11: {  	[sflag:s10] =	ssyncadd.s32 $0xFFFFFC00  }
0x12: {  	v3 =	vld [tilespmem:$0x0];
	_ =	sdelay $0x4  }
0x13: {  	v4 =	vshll.u32 v3, $0x3  }
0x14: {  	v3 =	vand.u32 $0x7, v3;
	v4 =	vand.u32 $0xFFFFFFC0, v4  }
0x15: {  	v3 =	vor.u32 v3, v4  }
0x16: {  	v4 =	vperm.xlane v3, v0;
	_ =	sdelay $0x1  }
0x17: {  	v4 =	vadd.s32 v1, v4;
	_ =	sdelay $0x3  }
0x18: {  	s16 =	simm.s32 $0x400  }
0x19: {  	[tilespmem:s16], [sflag:$0x1] =	stream.indirect_vreg.gather [hbm4b:s2+s3], $0x80, v4, vm0, $0xb8;
	[tilespmem:$0x18400] =	vst v63  }
0x1a: {  	s19 =	simm.s32 $0xC00;
	v3 =	vperm.xlane v3, v2  }
0x1b: {  	[tilespmem:s19], [sflag:$0x1] =	stream.indirect_vreg.gather [hbm4b:s5+s3], $0x80, v4, vm0, $0xb8;
	[tilespmem:$0x18400] =	vst v63  }
0x1c: {  	s20 =	simm.s32 $0x1400;
	v3 =	vadd.s32 v1, v3  }
0x1d: {  	[tilespmem:s20], [sflag:$0x1] =	stream.indirect_vreg.gather [hbm4b:s6+s3], $0x80, v4, vm0, $0xb8;
	[tilespmem:$0x18400] =	vst v63  }
0x1e: {  	s21 =	simm.s32 $0x1C00  }
0x1f: {  	[tilespmem:s21], [sflag:$0x1] =	stream.indirect_vreg.gather [hbm4b:s7+s3], $0x80, v4, vm0, $0xb8;
	[tilespmem:$0x18400] =	vst v63  }
0x20: {  	s22 =	simm.s32 $0x2400  }
0x21: {  	[tilespmem:s22], [sflag:$0x1] =	stream.indirect_vreg.gather [hbm4b:s2+s3], $0x80, v3, vm0, $0xb8;
	[tilespmem:$0x18400] =	vst v63  }
0x22: {  	s23 =	simm.s32 $0x2C00  }
0x23: {  	[tilespmem:s23], [sflag:$0x1] =	stream.indirect_vreg.gather [hbm4b:s5+s3], $0x80, v3, vm0, $0xb8;
	[tilespmem:$0x18400] =	vst v63  }
0x24: {  	s24 =	simm.s32 $0x3400  }
0x25: {  	[tilespmem:s24], [sflag:$0x1] =	stream.indirect_vreg.gather [hbm4b:s6+s3], $0x80, v3, vm0, $0xb8;
	[tilespmem:$0x18400] =	vst v63  }
0x26: {  	s25 =	simm.s32 $0x3C00  }
0x27: {  	[tilespmem:s25], [sflag:$0x1] =	stream.indirect_vreg.gather [hbm4b:s7+s3], $0x80, v3, vm0, $0xb8;
	[tilespmem:$0x18400] =	vst v63  }
0x28: {  	v3 =	vld [tilespmem:$0x10];
	_ =	sdelay $0x4  }
0x29: {  	v4 =	vshll.u32 v3, $0x3  }
0x2a: {  	v3 =	vand.u32 $0x7, v3;
	v4 =	vand.u32 $0xFFFFFFC0, v4  }
0x2b: {  	v3 =	vor.u32 v3, v4  }
0x2c: {  	v4 =	vperm.xlane v3, v0;
	_ =	sdelay $0x1  }
0x2d: {  	v4 =	vadd.s32 v1, v4;
	_ =	sdelay $0x3  }
0x2e: {  	s26 =	simm.s32 $0x4400  }
0x2f: {  	[tilespmem:s26], [sflag:$0x1] =	stream.indirect_vreg.gather [hbm4b:s2+s3], $0x80, v4, vm0, $0xb8;
	[tilespmem:$0x18400] =	vst v63  }
0x30: {  	s30 =	simm.s32 $0x4C00;
	v3 =	vperm.xlane v3, v2  }
0x31: {  	[tilespmem:s30], [sflag:$0x1] =	stream.indirect_vreg.gather [hbm4b:s5+s3], $0x80, v4, vm0, $0xb8;
	[tilespmem:$0x18400] =	vst v63  }
0x32: {  	s17 =	simm.s32 $0x5400;
	v3 =	vadd.s32 v1, v3  }
0x33: {  	[tilespmem:s17], [sflag:$0x1] =	stream.indirect_vreg.gather [hbm4b:s6+s3], $0x80, v4, vm0, $0xb8;
	[tilespmem:$0x18400] =	vst v63  }
0x34: {  	s18 =	simm.s32 $0x5C00  }
0x35: {  	[tilespmem:s18], [sflag:$0x1] =	stream.indirect_vreg.gather [hbm4b:s7+s3], $0x80, v4, vm0, $0xb8;
	[tilespmem:$0x18400] =	vst v63  }
0x36: {  	s19 =	simm.s32 $0x6400  }
0x37: {  	[tilespmem:s19], [sflag:$0x1] =	stream.indirect_vreg.gather [hbm4b:s2+s3], $0x80, v3, vm0, $0xb8;
	[tilespmem:$0x18400] =	vst v63  }
0x38: {  	s20 =	simm.s32 $0x6C00  }
0x39: {  	[tilespmem:s20], [sflag:$0x1] =	stream.indirect_vreg.gather [hbm4b:s5+s3], $0x80, v3, vm0, $0xb8;
	[tilespmem:$0x18400] =	vst v63  }
0x3a: {  	s21 =	simm.s32 $0x7400  }
0x3b: {  	[tilespmem:s21], [sflag:$0x1] =	stream.indirect_vreg.gather [hbm4b:s6+s3], $0x80, v3, vm0, $0xb8;
	[tilespmem:$0x18400] =	vst v63  }
0x3c: {  	s22 =	simm.s32 $0x7C00  }
0x3d: {  	[tilespmem:s22], [sflag:$0x1] =	stream.indirect_vreg.gather [hbm4b:s7+s3], $0x80, v3, vm0, $0xb8;
	[tilespmem:$0x18400] =	vst v63  }
0x3e: {  	v3 =	vld [tilespmem:$0x20];
	_ =	sdelay $0x4  }
0x3f: {  	v4 =	vshll.u32 v3, $0x3  }
0x40: {  	v3 =	vand.u32 $0x7, v3;
	v4 =	vand.u32 $0xFFFFFFC0, v4  }
0x41: {  	v3 =	vor.u32 v3, v4  }
0x42: {  	v4 =	vperm.xlane v3, v0;
	_ =	sdelay $0x1  }
0x43: {  	v4 =	vadd.s32 v1, v4;
	_ =	sdelay $0x3  }
0x44: {  	s23 =	simm.s32 $0x8400  }
0x45: {  	[tilespmem:s23], [sflag:$0x2] =	stream.indirect_vreg.gather [hbm4b:s2+s3], $0x80, v4, vm0, $0xb8;
	[tilespmem:$0x18400] =	vst v63  }
0x46: {  	s24 =	simm.s32 $0x8C00;
	v3 =	vperm.xlane v3, v2  }
0x47: {  	[tilespmem:s24], [sflag:$0x2] =	stream.indirect_vreg.gather [hbm4b:s5+s3], $0x80, v4, vm0, $0xb8;
	[tilespmem:$0x18400] =	vst v63  }
0x48: {  	s25 =	simm.s32 $0x9400;
	v3 =	vadd.s32 v1, v3  }
0x49: {  	[tilespmem:s25], [sflag:$0x2] =	stream.indirect_vreg.gather [hbm4b:s6+s3], $0x80, v4, vm0, $0xb8;
	[tilespmem:$0x18400] =	vst v63  }
0x4a: {  	s26 =	simm.s32 $0x9C00  }
0x4b: {  	[tilespmem:s26], [sflag:$0x2] =	stream.indirect_vreg.gather [hbm4b:s7+s3], $0x80, v4, vm0, $0xb8;
	[tilespmem:$0x18400] =	vst v63  }
0x4c: {  	s30 =	simm.s32 $0xA400  }
0x4d: {  	[tilespmem:s30], [sflag:$0x2] =	stream.indirect_vreg.gather [hbm4b:s2+s3], $0x80, v3, vm0, $0xb8;
	[tilespmem:$0x18400] =	vst v63  }
0x4e: {  	s17 =	simm.s32 $0xAC00  }
0x4f: {  	[tilespmem:s17], [sflag:$0x2] =	stream.indirect_vreg.gather [hbm4b:s5+s3], $0x80, v3, vm0, $0xb8;
	[tilespmem:$0x18400] =	vst v63  }
0x50: {  	s18 =	simm.s32 $0xB400  }
0x51: {  	[tilespmem:s18], [sflag:$0x2] =	stream.indirect_vreg.gather [hbm4b:s6+s3], $0x80, v3, vm0, $0xb8;
	[tilespmem:$0x18400] =	vst v63  }
0x52: {  	s19 =	simm.s32 $0xBC00  }
0x53: {  	[tilespmem:s19], [sflag:$0x2] =	stream.indirect_vreg.gather [hbm4b:s7+s3], $0x80, v3, vm0, $0xb8;
	[tilespmem:$0x18400] =	vst v63  }
0x54: {  	v3 =	vld [tilespmem:$0x30];
	_ =	sdelay $0x4  }
0x55: {  	v4 =	vshll.u32 v3, $0x3  }
0x56: {  	v3 =	vand.u32 $0x7, v3;
	v4 =	vand.u32 $0xFFFFFFC0, v4  }
0x57: {  	v3 =	vor.u32 v3, v4  }
0x58: {  	v4 =	vperm.xlane v3, v0;
	_ =	sdelay $0x1  }
0x59: {  	v4 =	vadd.s32 v1, v4;
	_ =	sdelay $0x3  }
0x5a: {  	s20 =	simm.s32 $0xC400  }
0x5b: {  	[tilespmem:s20], [sflag:$0x2] =	stream.indirect_vreg.gather [hbm4b:s2+s3], $0x80, v4, vm0, $0xb8;
	[tilespmem:$0x18400] =	vst v63  }
0x5c: {  	s21 =	simm.s32 $0xCC00;
	v3 =	vperm.xlane v3, v2  }
0x5d: {  	[tilespmem:s21], [sflag:$0x2] =	stream.indirect_vreg.gather [hbm4b:s5+s3], $0x80, v4, vm0, $0xb8;
	[tilespmem:$0x18400] =	vst v63  }
0x5e: {  	s22 =	simm.s32 $0xD400;
	v3 =	vadd.s32 v1, v3  }
0x5f: {  	[tilespmem:s22], [sflag:$0x2] =	stream.indirect_vreg.gather [hbm4b:s6+s3], $0x80, v4, vm0, $0xb8;
	[tilespmem:$0x18400] =	vst v63  }
0x60: {  	s23 =	simm.s32 $0xDC00  }
0x61: {  	[tilespmem:s23], [sflag:$0x2] =	stream.indirect_vreg.gather [hbm4b:s7+s3], $0x80, v4, vm0, $0xb8;
	[tilespmem:$0x18400] =	vst v63  }
0x62: {  	s24 =	simm.s32 $0xE400  }
0x63: {  	[tilespmem:s24], [sflag:$0x2] =	stream.indirect_vreg.gather [hbm4b:s2+s3], $0x80, v3, vm0, $0xb8;
	[tilespmem:$0x18400] =	vst v63  }
0x64: {  	s25 =	simm.s32 $0xEC00  }
0x65: {  	[tilespmem:s25], [sflag:$0x2] =	stream.indirect_vreg.gather [hbm4b:s5+s3], $0x80, v3, vm0, $0xb8;
	[tilespmem:$0x18400] =	vst v63  }
0x66: {  	s26 =	simm.s32 $0xF400  }
0x67: {  	[tilespmem:s26], [sflag:$0x2] =	stream.indirect_vreg.gather [hbm4b:s6+s3], $0x80, v3, vm0, $0xb8;
	[tilespmem:$0x18400] =	vst v63  }
0x68: {  	s30 =	simm.s32 $0xFC00  }
0x69: {  	[tilespmem:s30], [sflag:$0x2] =	stream.indirect_vreg.gather [hbm4b:s7+s3], $0x80, v3, vm0, $0xb8;
	[tilespmem:$0x18400] =	vst v63  }
0x6a: {  	v3 =	vld [tilespmem:$0x40];
	_ =	sdelay $0x4  }
0x6b: {  	v4 =	vshll.u32 v3, $0x3  }
0x6c: {  	v3 =	vand.u32 $0x7, v3;
	v4 =	vand.u32 $0xFFFFFFC0, v4  }
0x6d: {  	v3 =	vor.u32 v3, v4  }
0x6e: {  	v4 =	vperm.xlane v3, v0;
	_ =	sdelay $0x1  }
0x6f: {  	v4 =	vadd.s32 v1, v4;
	_ =	sdelay $0x3  }
0x70: {  	s17 =	simm.s32 $0x10400  }
0x71: {  	[tilespmem:s17], [sflag:$0x3] =	stream.indirect_vreg.gather [hbm4b:s2+s3], $0x80, v4, vm0, $0xb8;
	[tilespmem:$0x18400] =	vst v63  }
0x72: {  	s18 =	simm.s32 $0x10C00;
	v3 =	vperm.xlane v3, v2  }
0x73: {  	[tilespmem:s18], [sflag:$0x3] =	stream.indirect_vreg.gather [hbm4b:s5+s3], $0x80, v4, vm0, $0xb8;
	[tilespmem:$0x18400] =	vst v63  }
0x74: {  	s19 =	simm.s32 $0x11400;
	v3 =	vadd.s32 v1, v3  }
0x75: {  	[tilespmem:s19], [sflag:$0x3] =	stream.indirect_vreg.gather [hbm4b:s6+s3], $0x80, v4, vm0, $0xb8;
	[tilespmem:$0x18400] =	vst v63  }
0x76: {  	s20 =	simm.s32 $0x11C00  }
0x77: {  	[tilespmem:s20], [sflag:$0x3] =	stream.indirect_vreg.gather [hbm4b:s7+s3], $0x80, v4, vm0, $0xb8;
	[tilespmem:$0x18400] =	vst v63  }
0x78: {  	s21 =	simm.s32 $0x12400  }
0x79: {  	[tilespmem:s21], [sflag:$0x3] =	stream.indirect_vreg.gather [hbm4b:s2+s3], $0x80, v3, vm0, $0xb8;
	[tilespmem:$0x18400] =	vst v63  }
0x7a: {  	s22 =	simm.s32 $0x12C00  }
0x7b: {  	[tilespmem:s22], [sflag:$0x3] =	stream.indirect_vreg.gather [hbm4b:s5+s3], $0x80, v3, vm0, $0xb8;
	[tilespmem:$0x18400] =	vst v63  }
0x7c: {  	s23 =	simm.s32 $0x13400  }
0x7d: {  	[tilespmem:s23], [sflag:$0x3] =	stream.indirect_vreg.gather [hbm4b:s6+s3], $0x80, v3, vm0, $0xb8;
	[tilespmem:$0x18400] =	vst v63  }
0x7e: {  	s24 =	simm.s32 $0x13C00  }
0x7f: {  	[tilespmem:s24], [sflag:$0x3] =	stream.indirect_vreg.gather [hbm4b:s7+s3], $0x80, v3, vm0, $0xb8;
	[tilespmem:$0x18400] =	vst v63  }
0x80: {  	v3 =	vld [tilespmem:$0x50];
	_ =	sdelay $0x4  }
0x81: {  	v4 =	vshll.u32 v3, $0x3  }
0x82: {  	v3 =	vand.u32 $0x7, v3;
	v4 =	vand.u32 $0xFFFFFFC0, v4  }
0x83: {  	v3 =	vor.u32 v3, v4  }
0x84: {  	v4 =	vperm.xlane v3, v0;
	_ =	sdelay $0x1  }
0x85: {  	v4 =	vadd.s32 v1, v4;
	_ =	sdelay $0x3  }
0x86: {  	s25 =	simm.s32 $0x14400  }
0x87: {  	[tilespmem:s25], [sflag:$0x3] =	stream.indirect_vreg.gather [hbm4b:s2+s3], $0x80, v4, vm0, $0xb8;
	[tilespmem:$0x18400] =	vst v63  }
0x88: {  	s26 =	smul.u32 $0xAB, s3;
	v3 =	vperm.xlane v3, v2  }
0x89: {  	[tilespmem:s31], [sflag:$0x3] =	stream.indirect_vreg.gather [hbm4b:s5+s3], $0x80, v4, vm0, $0xb8;
	[tilespmem:$0x18400] =	vst v63  }
0x8a: {  	s16 =	sshrl.u32 s26, $0x9;
	v3 =	vadd.s32 v1, v3  }
0x8b: {  	[tilespmem:s1], [sflag:$0x3] =	stream.indirect_vreg.gather [hbm4b:s6+s3], $0x80, v4, vm0, $0xb8;
	[tilespmem:$0x18400] =	vst v63  }
0x8c: {  	s16 =	sand.u32 $0x7F, s16  }
0x8d: {  	[tilespmem:s0], [sflag:$0x3] =	stream.indirect_vreg.gather [hbm4b:s7+s3], $0x80, v4, vm0, $0xb8;
	[tilespmem:$0x18400] =	vst v63  }
0x8e: {  	s16 =	smul.u32 $0x3, s16  }
0x8f: {  	[tilespmem:s11], [sflag:$0x3] =	stream.indirect_vreg.gather [hbm4b:s2+s3], $0x80, v3, vm0, $0xb8;
	[tilespmem:$0x18400] =	vst v63  }
0x90: {  	s16 =	ssub.s32 $0x0, s16  }
0x91: {  	[tilespmem:s12], [sflag:$0x3] =	stream.indirect_vreg.gather [hbm4b:s5+s3], $0x80, v3, vm0, $0xb8;
	[tilespmem:$0x18400] =	vst v63  }
0x92: {  	s16 =	sand.u32 $0xFF, s16  }
0x93: {  	[tilespmem:s13], [sflag:$0x3] =	stream.indirect_vreg.gather [hbm4b:s6+s3], $0x80, v3, vm0, $0xb8;
	[tilespmem:$0x18400] =	vst v63  }
0x94: {  	s19 =	sadd.s32 $0x1, s16  }
0x95: {  	[tilespmem:s14], [sflag:$0x3] =	stream.indirect_vreg.gather [hbm4b:s7+s3], $0x80, v3, vm0, $0xb8;
	[tilespmem:$0x18400] =	vst v63  }
0x96: {  	_ =	swait.ge [sflag:s19], $0x8000  }
0x97: {  	s20 =	sshll.u32 s16, $0xF;
	[sflag:s19] =	ssyncset.done $0x0  }
0x98: {  	s16 =	sor.u32 $0x400, s20;
	[sflag:s19] =	ssyncadd.s32 $0xFFFF8000  }
0x99: {  	[hbm4b:s9+s3] =	stream.linear.scatter [tilespmem:s16], [sflag:$0x4], $0x8000, $0x38;
	[tilespmem:$0x18400] =	vst v63  }
0x9a: {  	_ =	swait.ge [sflag:s10], $0x8000  }
0x9b: {  	[sflag:s10] =	ssyncset.done $0x0  }
0x9c: {  	p0 =	por $0x0, $0x0;
	s17 =	simm.s32 $0x70;
	[sflag:s10] =	ssyncadd.s32 $0xFFFF8000  }
0x9d: {  	v3 =	vld @!p0 [tilespmem:s17+$0xFFFFFFF0];
	_ =	sdelay $0x4  }
0x9e: {  	v4 =	vshll.u32 @!p0 v3, $0x3  }
0x9f: {  	v5 =	vlaneseq.u32 @!p0;
	v3 =	vand.u32 @!p0 $0x7, v3;
	v4 =	vand.u32 @!p0 $0xFFFFFFC0, v4  }
0xa0: {  	v6 =	vshrl.u32 @!p0 v5, $0x3;
	v3 =	vor.u32 @!p0 v3, v4;
	v4 =	vand.u32 @!p0 $0x7, v5  }
0xa1: {  	v6 =	vmul.u32 @!p0 $0x8, v6;
	v7 =	vperm.xlane @!p0 v3, v4;
	_ =	sdelay $0x1  }
0xa2: {  	v7 =	vadd.s32 @!p0 v6, v7;
	_ =	sdelay $0x3  }
0xa3: {  	vm1 =	vmmov @!p0 $0xffff;
	s24 =	simm.s32 @!p0 $0x0  }
0xa4: {  	v5 =	vor.u32 @!p0 $0x8, v5;
	[tilespmem:s16], [sflag:s19] =	stream.indirect_vreg.gather @!p0 [hbm4b:s2+s24], $0x80, v7, vm1, $0xb8;
	[tilespmem:$0x18400] =	vst v63  }
0xa5: {  	v3 =	vperm.xlane @!p0 v3, v5;
	s16 =	sadd.s32 @!p0 $0xC00, s20  }
0xa6: {  	[tilespmem:s16], [sflag:s19] =	stream.indirect_vreg.gather @!p0 [hbm4b:s5+s24], $0x80, v7, vm1, $0xb8;
	[tilespmem:$0x18400] =	vst v63  }
0xa7: {  	v3 =	vadd.s32 @!p0 v6, v3;
	s16 =	sadd.s32 @!p0 $0x1400, s20  }
0xa8: {  	[tilespmem:s16], [sflag:s19] =	stream.indirect_vreg.gather @!p0 [hbm4b:s6+s24], $0x80, v7, vm1, $0xb8;
	[tilespmem:$0x18400] =	vst v63  }
0xa9: {  	s16 =	sadd.s32 @!p0 $0x1C00, s20  }
0xaa: {  	[tilespmem:s16], [sflag:s19] =	stream.indirect_vreg.gather @!p0 [hbm4b:s7+s24], $0x80, v7, vm1, $0xb8;
	[tilespmem:$0x18400] =	vst v63  }
0xab: {  	s16 =	sadd.s32 @!p0 $0x2400, s20  }
0xac: {  	[tilespmem:s16], [sflag:s19] =	stream.indirect_vreg.gather @!p0 [hbm4b:s2+s24], $0x80, v3, vm1, $0xb8;
	[tilespmem:$0x18400] =	vst v63  }
0xad: {  	s16 =	sadd.s32 @!p0 $0x2C00, s20  }
0xae: {  	[tilespmem:s16], [sflag:s19] =	stream.indirect_vreg.gather @!p0 [hbm4b:s5+s24], $0x80, v3, vm1, $0xb8;
	[tilespmem:$0x18400] =	vst v63  }
0xaf: {  	s16 =	sadd.s32 @!p0 $0x3400, s20  }
0xb0: {  	[tilespmem:s16], [sflag:s19] =	stream.indirect_vreg.gather @!p0 [hbm4b:s6+s24], $0x80, v3, vm1, $0xb8;
	[tilespmem:$0x18400] =	vst v63  }
0xb1: {  	s16 =	sadd.s32 @!p0 $0x3C00, s20  }
0xb2: {  	[tilespmem:s16], [sflag:s19] =	stream.indirect_vreg.gather @!p0 [hbm4b:s7+s24], $0x80, v3, vm1, $0xb8;
	[tilespmem:$0x18400] =	vst v63  }
0xb3: {  	v3 =	vld @!p0 [tilespmem:s17+$0x0];
	_ =	sdelay $0x4  }
0xb4: {  	v7 =	vshll.u32 @!p0 v3, $0x3  }
0xb5: {  	v3 =	vand.u32 @!p0 $0x7, v3;
	v7 =	vand.u32 @!p0 $0xFFFFFFC0, v7  }
0xb6: {  	v3 =	vor.u32 @!p0 v3, v7  }
0xb7: {  	v4 =	vperm.xlane @!p0 v3, v4;
	_ =	sdelay $0x1  }
0xb8: {  	v4 =	vadd.s32 @!p0 v6, v4;
	_ =	sdelay $0x2  }
0xb9: {  	s29 =	sadd.s32 @!p0 $0x6C00, s20  }
0xba: {  	s21 =	simm.s32 $0x90;
	s22 =	simm.s32 $0x1;
	s16 =	sadd.s32 @!p0 $0x4400, s20  }
0xbb: {  	[tilespmem:s16], [sflag:s19] =	stream.indirect_vreg.gather @!p0 [hbm4b:s2+s24], $0x80, v4, vm1, $0xb8;
	[tilespmem:$0x18400] =	vst v63  }
0xbc: {  	s30 =	smul.u32 $0xAB, s22;
	s23 =	sadd.s32 $0x1000, s9;
	v3 =	vperm.xlane @!p0 v3, v5;
	s16 =	sadd.s32 @!p0 $0x4C00, s20  }
0xbd: {  	[tilespmem:s16], [sflag:s19] =	stream.indirect_vreg.gather @!p0 [hbm4b:s5+s24], $0x80, v4, vm1, $0xb8;
	[tilespmem:$0x18400] =	vst v63  }
0xbe: {  	s18 =	sadd.s32 $0x1000, s23;
	s17 =	sadd.s32 @!p0 $0x5400, s20;
	v3 =	vadd.s32 @!p0 v6, v3;
	s16 =	sshrl.u32 s30, $0x9  }
0xbf: {  	[tilespmem:s17], [sflag:s19] =	stream.indirect_vreg.gather @!p0 [hbm4b:s6+s24], $0x80, v4, vm1, $0xb8;
	[tilespmem:$0x18400] =	vst v63  }
0xc0: {  	s25 =	simm.s32 $0x3;
	s16 =	sand.u32 $0x7F, s16;
	s17 =	sadd.s32 @!p0 $0x5C00, s20  }
0xc1: {  	[tilespmem:s17], [sflag:s19] =	stream.indirect_vreg.gather @!p0 [hbm4b:s7+s24], $0x80, v4, vm1, $0xb8;
	[tilespmem:$0x18400] =	vst v63  }
0xc2: {  	s26 =	smul.u32 $0x3, s16;
	s16 =	sadd.s32 @!p0 $0x6400, s20;
	s17 =	simm.s32 $0x2  }
0xc3: {  	[tilespmem:s16], [sflag:s19] =	stream.indirect_vreg.gather @!p0 [hbm4b:s2+s24], $0x80, v3, vm1, $0xb8;
	[tilespmem:$0x18400] =	vst v63  }
0xc4: {  	s28 =	ssub.s32 $0x1, s26;
	s26 =	sadd.s32 @!p0 $0x7C00, s20;
	s16 =	simm.s32 $0xB0  }
.LBB2_2:
0xc5: {  	[tilespmem:s29], [sflag:s19] =	stream.indirect_vreg.gather @!p0 [hbm4b:s5+s24], $0x80, v3, vm1, $0xb8;
	[tilespmem:$0x18400] =	vst v63  }
0xc6: {  	s29 =	smov.u32 s25  }
0xc7: {  	s25 =	sadd.s32 $0x1, s25;
	s28 =	sand.u32 $0xFF, s28;
	s20 =	sadd.s32 @!p0 $0x7400, s20  }
0xc8: {  	[tilespmem:s20], [sflag:s19] =	stream.indirect_vreg.gather @!p0 [hbm4b:s6+s24], $0x80, v3, vm1, $0xb8;
	[tilespmem:$0x18400] =	vst v63  }
0xc9: {  	p1 =	sne.s32 s25, $0x20;
	s30 =	sadd.s32 $0x1, s28;
	s20 =	sshll.u32 s28, $0xF  }
0xca: {  	[tilespmem:s26], [sflag:s19] =	stream.indirect_vreg.gather @!p0 [hbm4b:s7+s24], $0x80, v3, vm1, $0xb8;
	[tilespmem:$0x18400] =	vst v63  }
0xcb: {  	s19 =	smov.u32 s30;
	_ =	swait.ge [sflag:s30], $0x8000  }
0xcc: {  	[sflag:s19] =	ssyncset.done $0x0  }
0xcd: {  	s26 =	sor.u32 $0x400, s20;
	[sflag:s19] =	ssyncadd.s32 $0xFFFF8000  }
0xce: {  	[hbm4b:s23+s3] =	stream.linear.scatter [tilespmem:s26], [sflag:$0x4], $0x8000, $0x38;
	[tilespmem:$0x18400] =	vst v63  }
0xcf: {  	s23 =	smov.u32 s18;
	_ =	swait.ge [sflag:s10], $0x8000  }
0xd0: {  	[sflag:s10] =	ssyncset.done $0x0  }
0xd1: {  	p0 =	sgt.u32 s22, $0x1C;
	s22 =	smov.u32 s17;
	[sflag:s10] =	ssyncadd.s32 $0xFFFF8000  }
0xd2: {  	s17 =	smov.u32 s29;
	v4 =	vlaneseq.u32 @!p0;
	v3 =	vld @!p0 [tilespmem:s21+$0xFFFFFFF0]  }
0xd3: {  	v5 =	vshrl.u32 @!p0 v4, $0x3;
	_ =	sdelay $0x3  }
0xd4: {  	v6 =	vand.u32 @!p0 $0x7, v3;
	v3 =	vshll.u32 @!p0 v3, $0x3  }
0xd5: {  	v3 =	vand.u32 @!p0 $0xFFFFFFC0, v3  }
0xd6: {  	v3 =	vor.u32 @!p0 v6, v3;
	v6 =	vand.u32 @!p0 $0x7, v4;
	v4 =	vor.u32 @!p0 $0x8, v4  }
0xd7: {  	v5 =	vmul.u32 @!p0 $0x8, v5;
	v7 =	vperm.xlane @!p0 v3, v6;
	v3 =	vperm.xlane @!p0 v3, v4;
	_ =	sdelay $0x1  }
0xd8: {  	v7 =	vadd.s32 @!p0 v5, v7;
	_ =	sdelay $0x3  }
0xd9: {  	vm1 =	vmmov @!p0 $0xffff;
	s24 =	simm.s32 @!p0 $0x0  }
0xda: {  	[tilespmem:s26], [sflag:s19] =	stream.indirect_vreg.gather @!p0 [hbm4b:s2+s24], $0x80, v7, vm1, $0xb8;
	[tilespmem:$0x18400] =	vst v63  }
0xdb: {  	s26 =	sadd.s32 @!p0 $0xC00, s20  }
0xdc: {  	[tilespmem:s26], [sflag:s19] =	stream.indirect_vreg.gather @!p0 [hbm4b:s5+s24], $0x80, v7, vm1, $0xb8;
	[tilespmem:$0x18400] =	vst v63  }
0xdd: {  	v3 =	vadd.s32 @!p0 v5, v3;
	s26 =	sadd.s32 @!p0 $0x1400, s20  }
0xde: {  	[tilespmem:s26], [sflag:s19] =	stream.indirect_vreg.gather @!p0 [hbm4b:s6+s24], $0x80, v7, vm1, $0xb8;
	[tilespmem:$0x18400] =	vst v63  }
0xdf: {  	s26 =	sadd.s32 @!p0 $0x1C00, s20  }
0xe0: {  	[tilespmem:s26], [sflag:s19] =	stream.indirect_vreg.gather @!p0 [hbm4b:s7+s24], $0x80, v7, vm1, $0xb8;
	[tilespmem:$0x18400] =	vst v63  }
0xe1: {  	s26 =	sadd.s32 @!p0 $0x2400, s20  }
0xe2: {  	[tilespmem:s26], [sflag:s19] =	stream.indirect_vreg.gather @!p0 [hbm4b:s2+s24], $0x80, v3, vm1, $0xb8;
	[tilespmem:$0x18400] =	vst v63  }
0xe3: {  	s26 =	sadd.s32 @!p0 $0x2C00, s20  }
0xe4: {  	[tilespmem:s26], [sflag:s19] =	stream.indirect_vreg.gather @!p0 [hbm4b:s5+s24], $0x80, v3, vm1, $0xb8;
	[tilespmem:$0x18400] =	vst v63  }
0xe5: {  	s26 =	sadd.s32 @!p0 $0x3400, s20  }
0xe6: {  	[tilespmem:s26], [sflag:s19] =	stream.indirect_vreg.gather @!p0 [hbm4b:s6+s24], $0x80, v3, vm1, $0xb8;
	[tilespmem:$0x18400] =	vst v63  }
0xe7: {  	s26 =	sadd.s32 @!p0 $0x3C00, s20  }
0xe8: {  	[tilespmem:s26], [sflag:s19] =	stream.indirect_vreg.gather @!p0 [hbm4b:s7+s24], $0x80, v3, vm1, $0xb8;
	[tilespmem:$0x18400] =	vst v63  }
0xe9: {  	v3 =	vld @!p0 [tilespmem:s21+$0x0];
	s21 =	smov.u32 s16;
	_ =	sdelay $0x4  }
0xea: {  	v7 =	vand.u32 @!p0 $0x7, v3;
	v3 =	vshll.u32 @!p0 v3, $0x3  }
0xeb: {  	v3 =	vand.u32 @!p0 $0xFFFFFFC0, v3  }
0xec: {  	v3 =	vor.u32 @!p0 v7, v3  }
0xed: {  	v6 =	vperm.xlane @!p0 v3, v6;
	v3 =	vperm.xlane @!p0 v3, v4;
	_ =	sdelay $0x1  }
0xee: {  	v4 =	vadd.s32 @!p0 v5, v6;
	_ =	sdelay $0x3  }
0xef: {  	s26 =	sadd.s32 @!p0 $0x4400, s20  }
0xf0: {  	[tilespmem:s26], [sflag:s19] =	stream.indirect_vreg.gather @!p0 [hbm4b:s2+s24], $0x80, v4, vm1, $0xb8;
	[tilespmem:$0x18400] =	vst v63  }
0xf1: {  	s26 =	sadd.s32 @!p0 $0x4C00, s20  }
0xf2: {  	[tilespmem:s26], [sflag:s19] =	stream.indirect_vreg.gather @!p0 [hbm4b:s5+s24], $0x80, v4, vm1, $0xb8;
	[tilespmem:$0x18400] =	vst v63  }
0xf3: {  	s28 =	sadd.s32 @!p0 $0x5400, s20;
	s26 =	smul.u32 $0xAB, s22  }
0xf4: {  	v3 =	vadd.s32 @!p0 v5, v3;
	[tilespmem:s28], [sflag:s19] =	stream.indirect_vreg.gather @!p0 [hbm4b:s6+s24], $0x80, v4, vm1, $0xb8;
	[tilespmem:$0x18400] =	vst v63  }
0xf5: {  	s26 =	sshrl.u32 s26, $0x9;
	s28 =	sadd.s32 @!p0 $0x5C00, s20  }
0xf6: {  	[tilespmem:s28], [sflag:s19] =	stream.indirect_vreg.gather @!p0 [hbm4b:s7+s24], $0x80, v4, vm1, $0xb8;
	[tilespmem:$0x18400] =	vst v63  }
.Ltmp0:
0xf7: {  	_ = 	snop;
	(pc) =	sbr.rel @p1 .LBB2_2-.Ltmp0, $4  }
0xf8: {  	s18 =	sadd.s32 $0x1000, s18;
	s26 =	sand.u32 $0x7F, s26  }
0xf9: {  	s16 =	sadd.s32 $0x20, s16;
	s26 =	smul.u32 $0x3, s26;
	s28 =	sadd.s32 @!p0 $0x6400, s20  }
0xfa: {  	[tilespmem:s28], [sflag:s19] =	stream.indirect_vreg.gather @!p0 [hbm4b:s2+s24], $0x80, v3, vm1, $0xb8;
	[tilespmem:$0x18400] =	vst v63  }
0xfb: {  	s29 =	sadd.s32 @!p0 $0x6C00, s20;
	s28 =	ssub.s32 s22, s26;
	s26 =	sadd.s32 @!p0 $0x7C00, s20  }
0xfc: {  	_ =	sdelay $0x3  }
0xfd: {  	[tilespmem:s29], [sflag:s19] =	stream.indirect_vreg.gather @!p0 [hbm4b:s5+s24], $0x80, v3, vm1, $0xb8;
	[tilespmem:$0x18400] =	vst v63  }
0xfe: {  	s25 =	sand.u32 $0xFF, s28;
	s20 =	sadd.s32 @!p0 $0x7400, s20  }
0xff: {  	[tilespmem:s20], [sflag:s19] =	stream.indirect_vreg.gather @!p0 [hbm4b:s6+s24], $0x80, v3, vm1, $0xb8;
	[tilespmem:$0x18400] =	vst v63  }
0x100: {  	s20 =	sadd.s32 $0x1, s25  }
0x101: {  	[tilespmem:s26], [sflag:s19] =	stream.indirect_vreg.gather @!p0 [hbm4b:s7+s24], $0x80, v3, vm1, $0xb8;
	[tilespmem:$0x18400] =	vst v63  }
0x102: {  	_ =	swait.ge [sflag:s20], $0x8000  }
0x103: {  	s19 =	sshll.u32 s25, $0xF;
	[sflag:s20] =	ssyncset.done $0x0  }
0x104: {  	s24 =	sor.u32 $0x400, s19;
	[sflag:s20] =	ssyncadd.s32 $0xFFFF8000  }
0x105: {  	[hbm4b:s23+s3] =	stream.linear.scatter [tilespmem:s24], [sflag:$0x4], $0x8000, $0x38;
	[tilespmem:$0x18400] =	vst v63  }
0x106: {  	_ =	swait.ge [sflag:s10], $0x8000  }
0x107: {  	[sflag:s10] =	ssyncset.done $0x0  }
0x108: {  	p0 =	sgt.u32 s22, $0x1C;
	[sflag:s10] =	ssyncadd.s32 $0xFFFF8000  }
0x109: {  	v3 =	vld @!p0 [tilespmem:s21+$0xFFFFFFF0];
	_ =	sdelay $0x4  }
0x10a: {  	v4 =	vshll.u32 @!p0 v3, $0x3  }
0x10b: {  	v5 =	vlaneseq.u32 @!p0;
	v3 =	vand.u32 @!p0 $0x7, v3;
	v4 =	vand.u32 @!p0 $0xFFFFFFC0, v4  }
0x10c: {  	v6 =	vshrl.u32 @!p0 v5, $0x3;
	v3 =	vor.u32 @!p0 v3, v4;
	v4 =	vand.u32 @!p0 $0x7, v5  }
0x10d: {  	v6 =	vmul.u32 @!p0 $0x8, v6;
	v7 =	vperm.xlane @!p0 v3, v4;
	_ =	sdelay $0x1  }
0x10e: {  	v7 =	vadd.s32 @!p0 v6, v7;
	_ =	sdelay $0x3  }
0x10f: {  	vm1 =	vmmov @!p0 $0xffff;
	s22 =	simm.s32 @!p0 $0x0  }
0x110: {  	v5 =	vor.u32 @!p0 $0x8, v5;
	[tilespmem:s24], [sflag:s20] =	stream.indirect_vreg.gather @!p0 [hbm4b:s2+s22], $0x80, v7, vm1, $0xb8;
	[tilespmem:$0x18400] =	vst v63  }
0x111: {  	s23 =	sadd.s32 @!p0 $0xC00, s19;
	v3 =	vperm.xlane @!p0 v3, v5  }
0x112: {  	[tilespmem:s23], [sflag:s20] =	stream.indirect_vreg.gather @!p0 [hbm4b:s5+s22], $0x80, v7, vm1, $0xb8;
	[tilespmem:$0x18400] =	vst v63  }
0x113: {  	v3 =	vadd.s32 @!p0 v6, v3;
	s23 =	sadd.s32 @!p0 $0x1400, s19  }
0x114: {  	[tilespmem:s23], [sflag:s20] =	stream.indirect_vreg.gather @!p0 [hbm4b:s6+s22], $0x80, v7, vm1, $0xb8;
	[tilespmem:$0x18400] =	vst v63  }
0x115: {  	s23 =	sadd.s32 @!p0 $0x1C00, s19  }
0x116: {  	[tilespmem:s23], [sflag:s20] =	stream.indirect_vreg.gather @!p0 [hbm4b:s7+s22], $0x80, v7, vm1, $0xb8;
	[tilespmem:$0x18400] =	vst v63  }
0x117: {  	s23 =	sadd.s32 @!p0 $0x2400, s19  }
0x118: {  	[tilespmem:s23], [sflag:s20] =	stream.indirect_vreg.gather @!p0 [hbm4b:s2+s22], $0x80, v3, vm1, $0xb8;
	[tilespmem:$0x18400] =	vst v63  }
0x119: {  	s23 =	sadd.s32 @!p0 $0x2C00, s19  }
0x11a: {  	[tilespmem:s23], [sflag:s20] =	stream.indirect_vreg.gather @!p0 [hbm4b:s5+s22], $0x80, v3, vm1, $0xb8;
	[tilespmem:$0x18400] =	vst v63  }
0x11b: {  	s23 =	sadd.s32 @!p0 $0x3400, s19  }
0x11c: {  	[tilespmem:s23], [sflag:s20] =	stream.indirect_vreg.gather @!p0 [hbm4b:s6+s22], $0x80, v3, vm1, $0xb8;
	[tilespmem:$0x18400] =	vst v63  }
0x11d: {  	s23 =	sadd.s32 @!p0 $0x3C00, s19  }
0x11e: {  	[tilespmem:s23], [sflag:s20] =	stream.indirect_vreg.gather @!p0 [hbm4b:s7+s22], $0x80, v3, vm1, $0xb8;
	[tilespmem:$0x18400] =	vst v63  }
0x11f: {  	v3 =	vld @!p0 [tilespmem:s21+$0x0];
	_ =	sdelay $0x4  }
0x120: {  	v7 =	vshll.u32 @!p0 v3, $0x3  }
0x121: {  	v3 =	vand.u32 @!p0 $0x7, v3;
	v7 =	vand.u32 @!p0 $0xFFFFFFC0, v7  }
0x122: {  	v3 =	vor.u32 @!p0 v3, v7  }
0x123: {  	v4 =	vperm.xlane @!p0 v3, v4;
	_ =	sdelay $0x1  }
0x124: {  	v4 =	vadd.s32 @!p0 v6, v4;
	_ =	sdelay $0x3  }
0x125: {  	s21 =	sadd.s32 @!p0 $0x4400, s19  }
0x126: {  	[tilespmem:s21], [sflag:s20] =	stream.indirect_vreg.gather @!p0 [hbm4b:s2+s22], $0x80, v4, vm1, $0xb8;
	[tilespmem:$0x18400] =	vst v63  }
0x127: {  	s30 =	smul.u32 $0xAB, s17;
	v3 =	vperm.xlane @!p0 v3, v5;
	s21 =	sadd.s32 @!p0 $0x4C00, s19  }
0x128: {  	[tilespmem:s21], [sflag:s20] =	stream.indirect_vreg.gather @!p0 [hbm4b:s5+s22], $0x80, v4, vm1, $0xb8;
	[tilespmem:$0x18400] =	vst v63  }
0x129: {  	s23 =	sadd.s32 @!p0 $0x5400, s19;
	v3 =	vadd.s32 @!p0 v6, v3;
	s21 =	sshrl.u32 s30, $0x9  }
0x12a: {  	[tilespmem:s23], [sflag:s20] =	stream.indirect_vreg.gather @!p0 [hbm4b:s6+s22], $0x80, v4, vm1, $0xb8;
	[tilespmem:$0x18400] =	vst v63  }
0x12b: {  	s21 =	sand.u32 $0x7F, s21;
	s23 =	sadd.s32 @!p0 $0x5C00, s19  }
0x12c: {  	[tilespmem:s23], [sflag:s20] =	stream.indirect_vreg.gather @!p0 [hbm4b:s7+s22], $0x80, v4, vm1, $0xb8;
	[tilespmem:$0x18400] =	vst v63  }
0x12d: {  	s21 =	smul.u32 $0x3, s21;
	s23 =	sadd.s32 @!p0 $0x6400, s19  }
0x12e: {  	[tilespmem:s23], [sflag:s20] =	stream.indirect_vreg.gather @!p0 [hbm4b:s2+s22], $0x80, v3, vm1, $0xb8;
	[tilespmem:$0x18400] =	vst v63  }
0x12f: {  	s21 =	ssub.s32 s17, s21;
	s23 =	sadd.s32 @!p0 $0x6C00, s19  }
0x130: {  	[tilespmem:s23], [sflag:s20] =	stream.indirect_vreg.gather @!p0 [hbm4b:s5+s22], $0x80, v3, vm1, $0xb8;
	[tilespmem:$0x18400] =	vst v63  }
0x131: {  	s21 =	sand.u32 $0xFF, s21;
	s23 =	sadd.s32 @!p0 $0x7400, s19  }
0x132: {  	[tilespmem:s23], [sflag:s20] =	stream.indirect_vreg.gather @!p0 [hbm4b:s6+s22], $0x80, v3, vm1, $0xb8;
	[tilespmem:$0x18400] =	vst v63  }
0x133: {  	s23 =	sadd.s32 @!p0 $0x7C00, s19;
	s19 =	sadd.s32 $0x1, s21  }
0x134: {  	[tilespmem:s23], [sflag:s20] =	stream.indirect_vreg.gather @!p0 [hbm4b:s7+s22], $0x80, v3, vm1, $0xb8;
	[tilespmem:$0x18400] =	vst v63  }
0x135: {  	_ =	swait.ge [sflag:s19], $0x8000  }
0x136: {  	s20 =	sshll.u32 s21, $0xF;
	[sflag:s19] =	ssyncset.done $0x0  }
0x137: {  	s21 =	sor.u32 $0x400, s20;
	[sflag:s19] =	ssyncadd.s32 $0xFFFF8000  }
0x138: {  	[hbm4b:s18+s3] =	stream.linear.scatter [tilespmem:s21], [sflag:$0x4], $0x8000, $0x38;
	[tilespmem:$0x18400] =	vst v63  }
0x139: {  	_ =	swait.ge [sflag:s10], $0x8000  }
0x13a: {  	[sflag:s10] =	ssyncset.done $0x0  }
0x13b: {  	p0 =	sgt.u32 s17, $0x1C;
	[sflag:s10] =	ssyncadd.s32 $0xFFFF8000  }
0x13c: {  	v3 =	vld @!p0 [tilespmem:s16+$0xFFFFFFF0];
	_ =	sdelay $0x4  }
0x13d: {  	v4 =	vshll.u32 @!p0 v3, $0x3  }
0x13e: {  	v5 =	vlaneseq.u32 @!p0;
	v3 =	vand.u32 @!p0 $0x7, v3;
	v4 =	vand.u32 @!p0 $0xFFFFFFC0, v4  }
0x13f: {  	v6 =	vshrl.u32 @!p0 v5, $0x3;
	v3 =	vor.u32 @!p0 v3, v4;
	v4 =	vand.u32 @!p0 $0x7, v5  }
0x140: {  	v6 =	vmul.u32 @!p0 $0x8, v6;
	v7 =	vperm.xlane @!p0 v3, v4;
	_ =	sdelay $0x1  }
0x141: {  	v7 =	vadd.s32 @!p0 v6, v7;
	_ =	sdelay $0x3  }
0x142: {  	vm1 =	vmmov @!p0 $0xffff;
	s17 =	simm.s32 @!p0 $0x0  }
0x143: {  	v5 =	vor.u32 @!p0 $0x8, v5;
	[tilespmem:s21], [sflag:s19] =	stream.indirect_vreg.gather @!p0 [hbm4b:s2+s17], $0x80, v7, vm1, $0xb8;
	[tilespmem:$0x18400] =	vst v63  }
0x144: {  	s18 =	sadd.s32 @!p0 $0xC00, s20;
	v3 =	vperm.xlane @!p0 v3, v5  }
0x145: {  	[tilespmem:s18], [sflag:s19] =	stream.indirect_vreg.gather @!p0 [hbm4b:s5+s17], $0x80, v7, vm1, $0xb8;
	[tilespmem:$0x18400] =	vst v63  }
0x146: {  	v3 =	vadd.s32 @!p0 v6, v3;
	s18 =	sadd.s32 @!p0 $0x1400, s20  }
0x147: {  	[tilespmem:s18], [sflag:s19] =	stream.indirect_vreg.gather @!p0 [hbm4b:s6+s17], $0x80, v7, vm1, $0xb8;
	[tilespmem:$0x18400] =	vst v63  }
0x148: {  	s18 =	sadd.s32 @!p0 $0x1C00, s20  }
0x149: {  	[tilespmem:s18], [sflag:s19] =	stream.indirect_vreg.gather @!p0 [hbm4b:s7+s17], $0x80, v7, vm1, $0xb8;
	[tilespmem:$0x18400] =	vst v63  }
0x14a: {  	s18 =	sadd.s32 @!p0 $0x2400, s20  }
0x14b: {  	[tilespmem:s18], [sflag:s19] =	stream.indirect_vreg.gather @!p0 [hbm4b:s2+s17], $0x80, v3, vm1, $0xb8;
	[tilespmem:$0x18400] =	vst v63  }
0x14c: {  	s18 =	sadd.s32 @!p0 $0x2C00, s20  }
0x14d: {  	[tilespmem:s18], [sflag:s19] =	stream.indirect_vreg.gather @!p0 [hbm4b:s5+s17], $0x80, v3, vm1, $0xb8;
	[tilespmem:$0x18400] =	vst v63  }
0x14e: {  	s18 =	sadd.s32 @!p0 $0x3400, s20  }
0x14f: {  	[tilespmem:s18], [sflag:s19] =	stream.indirect_vreg.gather @!p0 [hbm4b:s6+s17], $0x80, v3, vm1, $0xb8;
	[tilespmem:$0x18400] =	vst v63  }
0x150: {  	s18 =	sadd.s32 @!p0 $0x3C00, s20  }
0x151: {  	[tilespmem:s18], [sflag:s19] =	stream.indirect_vreg.gather @!p0 [hbm4b:s7+s17], $0x80, v3, vm1, $0xb8;
	[tilespmem:$0x18400] =	vst v63  }
0x152: {  	v3 =	vld @!p0 [tilespmem:s16+$0x0];
	_ =	sdelay $0x4  }
0x153: {  	v7 =	vshll.u32 @!p0 v3, $0x3  }
0x154: {  	v3 =	vand.u32 @!p0 $0x7, v3;
	v7 =	vand.u32 @!p0 $0xFFFFFFC0, v7  }
0x155: {  	v3 =	vor.u32 @!p0 v3, v7  }
0x156: {  	v4 =	vperm.xlane @!p0 v3, v4;
	_ =	sdelay $0x1  }
0x157: {  	v4 =	vadd.s32 @!p0 v6, v4;
	_ =	sdelay $0x3  }
0x158: {  	s16 =	sadd.s32 @!p0 $0x4400, s20  }
0x159: {  	[tilespmem:s16], [sflag:s19] =	stream.indirect_vreg.gather @!p0 [hbm4b:s2+s17], $0x80, v4, vm1, $0xb8;
	[tilespmem:$0x18400] =	vst v63  }
0x15a: {  	v3 =	vperm.xlane @!p0 v3, v5;
	s16 =	sadd.s32 @!p0 $0x4C00, s20  }
0x15b: {  	[tilespmem:s16], [sflag:s19] =	stream.indirect_vreg.gather @!p0 [hbm4b:s5+s17], $0x80, v4, vm1, $0xb8;
	[tilespmem:$0x18400] =	vst v63  }
0x15c: {  	v3 =	vadd.s32 @!p0 v6, v3;
	s16 =	sadd.s32 @!p0 $0x5400, s20  }
0x15d: {  	[tilespmem:s16], [sflag:s19] =	stream.indirect_vreg.gather @!p0 [hbm4b:s6+s17], $0x80, v4, vm1, $0xb8;
	[tilespmem:$0x18400] =	vst v63  }
0x15e: {  	s16 =	sadd.s32 @!p0 $0x5C00, s20  }
0x15f: {  	[tilespmem:s16], [sflag:s19] =	stream.indirect_vreg.gather @!p0 [hbm4b:s7+s17], $0x80, v4, vm1, $0xb8;
	[tilespmem:$0x18400] =	vst v63  }
0x160: {  	s16 =	sadd.s32 @!p0 $0x6400, s20  }
0x161: {  	[tilespmem:s16], [sflag:s19] =	stream.indirect_vreg.gather @!p0 [hbm4b:s2+s17], $0x80, v3, vm1, $0xb8;
	[tilespmem:$0x18400] =	vst v63  }
0x162: {  	s16 =	sadd.s32 @!p0 $0x6C00, s20  }
0x163: {  	[tilespmem:s16], [sflag:s19] =	stream.indirect_vreg.gather @!p0 [hbm4b:s5+s17], $0x80, v3, vm1, $0xb8;
	[tilespmem:$0x18400] =	vst v63  }
0x164: {  	s16 =	sadd.s32 @!p0 $0x7400, s20  }
0x165: {  	[tilespmem:s16], [sflag:s19] =	stream.indirect_vreg.gather @!p0 [hbm4b:s6+s17], $0x80, v3, vm1, $0xb8;
	[tilespmem:$0x18400] =	vst v63  }
0x166: {  	s15 =	sadd.s32 $0x1, s15;
	s16 =	sadd.s32 @!p0 $0x7C00, s20  }
0x167: {  	[tilespmem:s16], [sflag:s19] =	stream.indirect_vreg.gather @!p0 [hbm4b:s7+s17], $0x80, v3, vm1, $0xb8;
	[tilespmem:$0x18400] =	vst v63  }
0x168: {  	p0 =	sne.s32 s15, s8  }
.Ltmp1:
0x169: {  	_ = 	snop;
	(pc) =	sbr.rel @p0 .LBB2_1-.Ltmp1, $1  }
0x16a: {  	_ =	sdelay $0x3  }
0x16b: {  	_ =	sfence.sel $0x180000  }
0x16c: {  	[bflag:$0x0] =	sbarrier.arrive $0xFFFF  }
0x16d: {  	_ =	strace $0x90000047  }
0x16e: {  	s0 =	stileid.u32;
	[bflag:$0x2] =	sbarrier.arrive $0xFFFF  }
0x16f: {  	p0 =	sne.s32 s0, $0x0;
	s0 =	rddreg [dreg:$0x3]  }
0x170: {  	s0 =	sadd.s32 @!p0 $0x100000, s0  }
0x171: {  	[sflag:s0] =	ssyncadd.tile.s32 @!p0 $0x1;
	_ =	shalt  }
.Lfunc_end2:
_tile_overlayer_lowered:
.L_overlay_start_2:
0x172: {  	(tag) =	ssettag $0x2  }
0x173: {  	s0 =	rddreg [dreg:$0x0];
	s2 =	stileid.u32  }
0x174: {  	s1 =	rddreg [dreg:$0x1];
	p0 =	sne.s32 s2, $0x0  }
0x175: {  	s3 =	rddreg [dreg:$0x2];
	[bflag:$0x3] =	sbarrier.arrive $0xFFFF;
	s2 =	simm.s32 @!p0 $0x1C04  }
0x176: {  	[timem:s3], [sflag:s2] =	dma.local @!p0 [hbm:s0], s1  }
0x177: {  	s0 =	simm.s32 @!p0 $0x4  }
0x178: {  	_ =	swait.ge @!p0 [sflag:s0], s1  }
0x179: {  	s1 =	ssub.s32 @!p0 $0x0, s1;
	[sflag:s0] =	ssyncset.done @!p0 $0x0  }
0x17a: {  	[sflag:s0] =	ssyncadd.s32 @!p0 s1  }
0x17b: {  	[bflag:$0x3] =	sbarrier.arrive $0xFFFF  }
0x17c: {  	_ =	shalt  }

</sc_bundles>
